<compile_context>
chip_gen: v7x
topology: tpu7x:2x2x1
jax: 0.10.2.dev20260603
libtpu: 0.0.44.dev20260713+nightly
codegen_flags: <defaults>
</compile_context>

<pallas_src>
import jax
import jax.numpy as jnp
from jax import lax
from jax.experimental import pallas as pl
from jax.experimental.pallas import tpu as pltpu

B, N, S, K = 4, 16384, 1024, 32
C1, C2, CL = 64, 128, 256


def _fps_body(xt_ref, sx_ref, sy_ref, sz_ref):
    X = xt_ref[0]
    Y = xt_ref[1]
    Z = xt_ref[2]
    iota_n = lax.broadcasted_iota(jnp.int32, (B, N), 1)
    dists0 = jnp.full((B, N), 1e10, dtype=jnp.float32)
    far0 = jnp.zeros((B, 1), dtype=jnp.int32)

    def body(i, carry):
        dists, far = carry
        sel = iota_n == far
        neg = jnp.float32(-jnp.inf)
        cx = jnp.max(jnp.where(sel, X, neg), axis=1, keepdims=True)
        cy = jnp.max(jnp.where(sel, Y, neg), axis=1, keepdims=True)
        cz = jnp.max(jnp.where(sel, Z, neg), axis=1, keepdims=True)
        sx_ref[pl.ds(i, 1), :] = cx.reshape(1, B)
        sy_ref[pl.ds(i, 1), :] = cy.reshape(1, B)
        sz_ref[pl.ds(i, 1), :] = cz.reshape(1, B)
        dx = X - cx
        dy = Y - cy
        dz = Z - cz
        d = dx * dx + dy * dy + dz * dz
        dists = jnp.minimum(dists, d)
        maxv = jnp.max(dists, axis=1, keepdims=True)
        far = jnp.min(jnp.where(dists == maxv, iota_n, N), axis=1, keepdims=True)
        return (dists, far.astype(jnp.int32))

    lax.fori_loop(0, S, body, (dists0, far0))


def _fps_pallas(xt):
    out = pl.pallas_call(
        _fps_body,
        out_shape=(
            jax.ShapeDtypeStruct((S, B), jnp.float32),
            jax.ShapeDtypeStruct((S, B), jnp.float32),
            jax.ShapeDtypeStruct((S, B), jnp.float32),
        ),
    )(xt)
    return out


def kernel(xyz, W1, b1, g1, be1, W2, b2, g2, be2, Wl, bl):
    pts = jnp.transpose(xyz, (0, 2, 1))
    xt = jnp.transpose(xyz, (1, 0, 2))
    sx, sy, sz = _fps_pallas(xt)
    sampled = jnp.stack([sx.T, sy.T, sz.T], axis=-1)
    d2 = (jnp.sum(sampled ** 2, axis=-1)[:, :, None]
          - 2.0 * jnp.einsum('bsc,bnc->bsn', sampled, pts)
          + jnp.sum(pts ** 2, axis=-1)[:, None, :])
    _, knn_idx = jax.lax.top_k(-d2, K)
    batch_ix = jnp.arange(B)[:, None, None]
    grouped = pts[batch_ix, knn_idx]
    grouped = grouped - sampled[:, :, None, :]
    x = jnp.transpose(grouped, (0, 3, 1, 2))

    def conv(x, W, b):
        return jnp.einsum('oc,bcsk->bosk', W, x) + b[None, :, None, None]

    def bn(x, g, be):
        mu = jnp.mean(x, axis=(0, 2, 3), keepdims=True)
        var = jnp.var(x, axis=(0, 2, 3), keepdims=True)
        return g[None, :, None, None] * (x - mu) / jnp.sqrt(var + 1e-5) + be[None, :, None, None]

    x = jax.nn.relu(bn(conv(x, W1, b1), g1, be1))
    x = jax.nn.relu(bn(conv(x, W2, b2), g2, be2))
    x = conv(x, Wl, bl)
    new_points = jnp.max(x, axis=-1)
    sampled_xyz = jnp.transpose(sampled, (0, 2, 1))
    return (sampled_xyz, new_points)

# --- scband reference (transcript-rebuilt; emitter-appended) ---
"""Pipeline reference for scband-point-net-sa-layer-4114578669988 (READ-ONLY COPY).

The authoritative reference and input builder live on the scoring server;
editing this copy changes nothing except your own understanding.
"""

import jax, jax.numpy as jnp
import numpy as np

B, N, S, K = 4, 16384, 1024, 32
C1, C2, CL = 64, 128, 256


def setup_inputs(seed: int = 0) -> dict:
    key = jax.random.key(seed)
    ks = jax.random.split(key, 12)
    xyz = jax.random.normal(ks[0], (B, 3, N), dtype=jnp.float32)
    W1 = jax.random.normal(ks[1], (C1, 3), dtype=jnp.float32) * 0.1
    b1 = jnp.zeros((C1,), dtype=jnp.float32)
    g1 = jnp.ones((C1,), dtype=jnp.float32)
    be1 = jnp.zeros((C1,), dtype=jnp.float32)
    W2 = jax.random.normal(ks[2], (C2, C1), dtype=jnp.float32) * 0.05
    b2 = jnp.zeros((C2,), dtype=jnp.float32)
    g2 = jnp.ones((C2,), dtype=jnp.float32)
    be2 = jnp.zeros((C2,), dtype=jnp.float32)
    Wl = jax.random.normal(ks[3], (CL, C2), dtype=jnp.float32) * 0.05
    bl = jnp.zeros((CL,), dtype=jnp.float32)
    return {"xyz": xyz, "W1": W1, "b1": b1, "g1": g1, "be1": be1,
            "W2": W2, "b2": b2, "g2": g2, "be2": be2, "Wl": Wl, "bl": bl}


def _fps(pts, npoints):
    # pts: [B, N, 3] -> idx: [B, npoints] iterative farthest point sampling
    Bv, Nv, _ = pts.shape

    def body(i, carry):
        dists, idx, farthest = carry
        idx = idx.at[:, i].set(farthest)
        centroid = jnp.take_along_axis(pts, farthest[:, None, None], axis=1)  # [B,1,3]
        d = jnp.sum((pts - centroid) ** 2, axis=-1)  # [B,N]
        dists = jnp.minimum(dists, d)
        farthest = jnp.argmax(dists, axis=-1).astype(jnp.int32)
        return (dists, idx, farthest)

    dists0 = jnp.full((Bv, Nv), 1e10, dtype=jnp.float32)
    idx0 = jnp.zeros((Bv, npoints), dtype=jnp.int32)
    far0 = jnp.zeros((Bv,), dtype=jnp.int32)
    _, idx, _ = jax.lax.fori_loop(0, npoints, body, (dists0, idx0, far0))
    return idx


def _conv(x, W, b):
    # 1x1 conv over [B, C, S, K]
    return jnp.einsum('oc,bcsk->bosk', W, x) + b[None, :, None, None]


def _bn(x, g, be):
    # BatchNorm (training mode): per-channel stats over (B, S, K)
    mu = jnp.mean(x, axis=(0, 2, 3), keepdims=True)
    var = jnp.var(x, axis=(0, 2, 3), keepdims=True)
    xn = (x - mu) / jnp.sqrt(var + 1e-5)
    return g[None, :, None, None] * xn + be[None, :, None, None]


def reference(xyz, W1, b1, g1, be1, W2, b2, g2, be2, Wl, bl):
    pts = jnp.transpose(xyz, (0, 2, 1))  # [B, N, 3]
    # sampling: farthest point sampling
    fps_idx = _fps(pts, S)  # [B, S]
    sampled = jnp.take_along_axis(pts, fps_idx[:, :, None], axis=1)  # [B, S, 3]
    # grouping: KNN (radius=None path)
    d2 = (jnp.sum(sampled ** 2, axis=-1)[:, :, None]
          - 2.0 * jnp.einsum('bsc,bnc->bsn', sampled, pts)
          + jnp.sum(pts ** 2, axis=-1)[:, None, :])  # [B, S, N]
    _, knn_idx = jax.lax.top_k(-d2, K)  # [B, S, K]
    batch_ix = jnp.arange(B)[:, None, None]
    grouped = pts[batch_ix, knn_idx]  # [B, S, K, 3]
    grouped = grouped - sampled[:, :, None, :]  # center on sampled point
    x = jnp.transpose(grouped, (0, 3, 1, 2))  # [B, 3, S, K]
    # PointNet MLP: conv -> BN -> relu (x2), then last conv
    x = jax.nn.relu(_bn(_conv(x, W1, b1), g1, be1))
    x = jax.nn.relu(_bn(_conv(x, W2, b2), g2, be2))
    x = _conv(x, Wl, bl)
    new_points = jnp.max(x, axis=-1)  # [B, CL, S]
    sampled_xyz = jnp.transpose(sampled, (0, 2, 1))  # [B, 3, S]
    return (sampled_xyz, new_points)

if __name__ == "__main__":
    import jax
    _d = setup_inputs()
    print(jax.jit(kernel)(*tuple(_d.values())))

</pallas_src>

<mosaic_0001>
module attributes {stable_mosaic.version = 14 : i64} {
  func.func @_fps_body(%arg0: memref<3x4x16384xf32, #tpu.memory_space<vmem>>, %arg1: memref<1024x4xf32, #tpu.memory_space<vmem>>, %arg2: memref<1024x4xf32, #tpu.memory_space<vmem>>, %arg3: memref<1024x4xf32, #tpu.memory_space<vmem>>) attributes {dimension_semantics = [], scalar_prefetch = 0 : i64, scratch_operands = 0 : i64, tpu.core_type = #tpu.core_type<tc>} {
    %get3A = arith.constant 0 : index
    %get3A_0 = arith.constant 0 : index
    %get3A_1 = arith.constant 0 : index
    %get3A_2 = vector.load %arg0[%get3A, %get3A_0, %get3A_1] : memref<3x4x16384xf32, #tpu.memory_space<vmem>>, vector<1x4x16384xf32>
    %get3A_3 = vector.shape_cast %get3A_2 : vector<1x4x16384xf32> to vector<4x16384xf32>
    %get3A_4 = arith.constant 1 : index
    %get3A_5 = arith.constant 0 : index
    %get3A_6 = arith.constant 0 : index
    %get3A_7 = vector.load %arg0[%get3A_4, %get3A_5, %get3A_6] : memref<3x4x16384xf32, #tpu.memory_space<vmem>>, vector<1x4x16384xf32>
    %get3A_8 = vector.shape_cast %get3A_7 : vector<1x4x16384xf32> to vector<4x16384xf32>
    %get3A_9 = arith.constant 2 : index
    %get3A_10 = arith.constant 0 : index
    %get3A_11 = arith.constant 0 : index
    %get3A_12 = vector.load %arg0[%get3A_9, %get3A_10, %get3A_11] : memref<3x4x16384xf32, #tpu.memory_space<vmem>>, vector<1x4x16384xf32>
    %get3A_13 = vector.shape_cast %get3A_12 : vector<1x4x16384xf32> to vector<4x16384xf32>
    %iota3A = tpu.iota {dimensions = array<i32: 1>} : vector<4x16384xi32>
    %broadcast_in_dim3A = arith.constant 1.000000e+10 : f32
    %broadcast_in_dim3A_14 = vector.broadcast %broadcast_in_dim3A : f32 to vector<4x16384xf32>
    %broadcast_in_dim3A_15 = arith.constant 0 : i32
    %broadcast_in_dim3A_16 = vector.broadcast %broadcast_in_dim3A_15 : i32 to vector<4x1xi32>
    %scan3A = arith.constant 0 : i32
    %scan3A_17 = arith.constant 1024 : i32
    %scan3A_18 = arith.addi %scan3A, %scan3A_17 : i32
    %scan3A_19 = arith.constant 1 : i32
    %scan3A_20:2 = scf.for %scan3A_22 = %scan3A to %scan3A_18 step %scan3A_19 iter_args(%scan3A_23 = %broadcast_in_dim3A_14, %scan3A_24 = %broadcast_in_dim3A_16) -> (vector<4x16384xf32>, vector<4x1xi32>)  : i32 {
      %eq3A = vector.broadcast %scan3A_24 : vector<4x1xi32> to vector<4x16384xi32>
      %eq3A_25 = arith.cmpi eq, %iota3A, %eq3A : vector<4x16384xi32>
      %jit3A = arith.constant 0xFF800000 : f32
      %broadcast_in_dim3A_26 = vector.broadcast %jit3A : f32 to vector<4x16384xf32>
      %select_n3A = arith.select %eq3A_25, %get3A_3, %broadcast_in_dim3A_26 : vector<4x16384xi1>, vector<4x16384xf32>
      %reduce_max3A = arith.constant dense<0xFF800000> : vector<4xf32>
      %reduce_max3A_27 = vector.multi_reduction <maximumf>, %select_n3A, %reduce_max3A [1] : vector<4x16384xf32> to vector<4xf32>
      %broadcast_in_dim3A_28 = vector.shape_cast %reduce_max3A_27 : vector<4xf32> to vector<4x1xf32>
      %jit3A_29 = arith.constant 0xFF800000 : f32
      %broadcast_in_dim3A_30 = vector.broadcast %jit3A_29 : f32 to vector<4x16384xf32>
      %select_n3A_31 = arith.select %eq3A_25, %get3A_8, %broadcast_in_dim3A_30 : vector<4x16384xi1>, vector<4x16384xf32>
      %reduce_max3A_32 = arith.constant dense<0xFF800000> : vector<4xf32>
      %reduce_max3A_33 = vector.multi_reduction <maximumf>, %select_n3A_31, %reduce_max3A_32 [1] : vector<4x16384xf32> to vector<4xf32>
      %broadcast_in_dim3A_34 = vector.shape_cast %reduce_max3A_33 : vector<4xf32> to vector<4x1xf32>
      %jit3A_35 = arith.constant 0xFF800000 : f32
      %broadcast_in_dim3A_36 = vector.broadcast %jit3A_35 : f32 to vector<4x16384xf32>
      %select_n3A_37 = arith.select %eq3A_25, %get3A_13, %broadcast_in_dim3A_36 : vector<4x16384xi1>, vector<4x16384xf32>
      %reduce_max3A_38 = arith.constant dense<0xFF800000> : vector<4xf32>
      %reduce_max3A_39 = vector.multi_reduction <maximumf>, %select_n3A_37, %reduce_max3A_38 [1] : vector<4x16384xf32> to vector<4xf32>
      %broadcast_in_dim3A_40 = vector.shape_cast %reduce_max3A_39 : vector<4xf32> to vector<4x1xf32>
      %reshape3A = vector.shape_cast %broadcast_in_dim3A_28 : vector<4x1xf32> to vector<1x4xf32>
      %swap3A = arith.index_cast %scan3A_22 : i32 to index
      %swap3A_41 = arith.constant 0 : index
      %swap3A_42 = vector.load %arg1[%swap3A, %swap3A_41] : memref<1024x4xf32, #tpu.memory_space<vmem>>, vector<1x4xf32>
      tpu.vector_store %arg1[%swap3A, %swap3A_41], %reshape3A {strides = array<i32>} : memref<1024x4xf32, #tpu.memory_space<vmem>>, vector<1x4xf32>,
      %reshape3A_43 = vector.shape_cast %broadcast_in_dim3A_34 : vector<4x1xf32> to vector<1x4xf32>
      %swap3A_44 = arith.index_cast %scan3A_22 : i32 to index
      %swap3A_45 = arith.constant 0 : index
      %swap3A_46 = vector.load %arg2[%swap3A_44, %swap3A_45] : memref<1024x4xf32, #tpu.memory_space<vmem>>, vector<1x4xf32>
      tpu.vector_store %arg2[%swap3A_44, %swap3A_45], %reshape3A_43 {strides = array<i32>} : memref<1024x4xf32, #tpu.memory_space<vmem>>, vector<1x4xf32>,
      %reshape3A_47 = vector.shape_cast %broadcast_in_dim3A_40 : vector<4x1xf32> to vector<1x4xf32>
      %swap3A_48 = arith.index_cast %scan3A_22 : i32 to index
      %swap3A_49 = arith.constant 0 : index
      %swap3A_50 = vector.load %arg3[%swap3A_48, %swap3A_49] : memref<1024x4xf32, #tpu.memory_space<vmem>>, vector<1x4xf32>
      tpu.vector_store %arg3[%swap3A_48, %swap3A_49], %reshape3A_47 {strides = array<i32>} : memref<1024x4xf32, #tpu.memory_space<vmem>>, vector<1x4xf32>,
      %sub3A = vector.broadcast %broadcast_in_dim3A_28 : vector<4x1xf32> to vector<4x16384xf32>
      %sub3A_51 = arith.subf %get3A_3, %sub3A : vector<4x16384xf32>
      %sub3A_52 = vector.broadcast %broadcast_in_dim3A_34 : vector<4x1xf32> to vector<4x16384xf32>
      %sub3A_53 = arith.subf %get3A_8, %sub3A_52 : vector<4x16384xf32>
      %sub3A_54 = vector.broadcast %broadcast_in_dim3A_40 : vector<4x1xf32> to vector<4x16384xf32>
      %sub3A_55 = arith.subf %get3A_13, %sub3A_54 : vector<4x16384xf32>
      %mul3A = arith.mulf %sub3A_51, %sub3A_51 : vector<4x16384xf32>
      %mul3A_56 = arith.mulf %sub3A_53, %sub3A_53 : vector<4x16384xf32>
      %add3A = arith.addf %mul3A, %mul3A_56 : vector<4x16384xf32>
      %mul3A_57 = arith.mulf %sub3A_55, %sub3A_55 : vector<4x16384xf32>
      %add3A_58 = arith.addf %add3A, %mul3A_57 : vector<4x16384xf32>
      %min3A = arith.minimumf %scan3A_23, %add3A_58 : vector<4x16384xf32>
      %reduce_max3A_59 = arith.constant dense<0xFF800000> : vector<4xf32>
      %reduce_max3A_60 = vector.multi_reduction <maximumf>, %min3A, %reduce_max3A_59 [1] : vector<4x16384xf32> to vector<4xf32>
      %broadcast_in_dim3A_61 = vector.shape_cast %reduce_max3A_60 : vector<4xf32> to vector<4x1xf32>
      %eq3A_62 = vector.broadcast %broadcast_in_dim3A_61 : vector<4x1xf32> to vector<4x16384xf32>
      %eq3A_63 = arith.cmpf oeq, %min3A, %eq3A_62 : vector<4x16384xf32>
      %jit3A_64 = arith.constant 16384 : i32
      %broadcast_in_dim3A_65 = vector.broadcast %jit3A_64 : i32 to vector<4x16384xi32>
      %select_n3A_66 = arith.select %eq3A_63, %iota3A, %broadcast_in_dim3A_65 : vector<4x16384xi1>, vector<4x16384xi32>
      %reduce_min3A = arith.constant dense<2147483647> : vector<4xi32>
      %reduce_min3A_67 = vector.multi_reduction <minsi>, %select_n3A_66, %reduce_min3A [1] : vector<4x16384xi32> to vector<4xi32>
      %broadcast_in_dim3A_68 = vector.shape_cast %reduce_min3A_67 : vector<4xi32> to vector<4x1xi32>
      scf.yield %min3A, %broadcast_in_dim3A_68 : vector<4x16384xf32>, vector<4x1xi32>
    }
    %scan3A_21 = arith.constant 1024 : i32
    return
  }
}

</mosaic_0001>

<sc_bundles>
// kernel: sparse-core-data-format-call.cloned.1.call-start
scs
called_computation_lowered:
.L_overlay_start_0:
0x0: {  	s1 =	sld [smem:$0x3FD9]  }
0x1: {  	s2 =	sld [smem:$0x3FFE];
	_ =	sdelay $0x1  }
0x2: {  	s3 =	srdreg.scid  }
0x3: {  	s0 =	sand.u32 $0x1, s3  }
0x4: {  	s17 =	sshll.u32 s0, $0xA;
	s1 =	sadd.s32 s2, s1  }
0x5: {  	s1 =	sadd.s32 s1, s17  }
0x6: {  	[smem:$0x3FBD] =	sst s1  }
0x7: {  	_ = 	snop  }
0x8: {  	(tm) =	ssettm $0x1  }
0x9: {  	s18 =	sld [smem:$0x3FFB];
	_ =	sdelay $0x3  }
0xa: {  	_ =	strace s18  }
0xb: {  	s1 =	sld [smem:$0x3FFC];
	_ =	sdelay $0x3  }
0xc: {  	_ =	strace s1  }
0xd: {  	s1 =	sld [smem:$0x3FFD];
	_ =	sdelay $0x3  }
0xe: {  	_ =	strace s1  }
0xf: {  	_ =	strace $0x8FFFFFFF  }
0x10: {  	s19 =	sld [smem:$0x3FDB];
	_ =	sdelay $0x1  }
0x11: {  	s20 =	simm.s32 $_scs_section_size  }
0x12: {  	s4 =	simm.s32 $_size__tile_overlayer_lowered;
	s5 =	simm.s32 $_tile_overlayer_lowered  }
0x13: {  	s23 =	simm.s32 $0x1BFF;
	s22 =	sshll.u32 s5, $0x1;
	s1 =	sadd.s32 s20, s19  }
0x14: {  	s6 =	simm.s32 $0x0;
	s21 =	sshll.u32 s4, $0x1;
	s4 =	sadd.s32 s22, s1  }
0x15: {  	[timem:s6], [sflag:s23] =	dma.local [hbm:s4], s21  }
0x16: {  	_ =	swait.ge [sflag:s23], s21  }
0x17: {  	s2 =	ssub.s32 $0x0, s21;
	[sflag:s23] =	ssyncset.done $0x0  }
0x18: {  	[sflag:s23] =	ssyncadd.s32 s2;
	_ =	sdelay $0x1  }
0x19: {  	s24 =	simm.s32 $0x1B8B  }
0x1a: {  	_ =	swait.ge [sflag:s24], $0x1  }
0x1b: {  	[sflag:s24] =	ssyncset.done $0x0  }
0x1c: {  	s26 =	simm.s32 $0x1B8E;
	s25 =	sld [smem:$0x3FFE];
	[sflag:s24] =	ssyncadd.s32 $0xFFFFFFFF  }
0x1d: {  	s27 =	simm.s32 $execute0_lowered;
	[smem:$0x3FD2] =	sst s26  }
0x1e: {  	s4 =	sshll.u32 s27, $0x1;
	_ =	strace $0x80000046;
	[dreg:$0x1] =	wrdreg $0xFFFFFFFF  }
0x1f: {  	s28 =	simm.s32 $_size_execute0_lowered;
	s1 =	sadd.s32 s1, s4;
	[dreg:$0x0] =	wrdreg $0x0  }
0x20: {  	s4 =	sshll.u32 s28, $0x1;
	[dreg:$0x2] =	wrdreg s1  }
0x21: {  	[dreg:$0x3] =	wrdreg s4  }
0x22: {  	[dreg:$0x4] =	wrdreg $0xC0  }
0x23: {  	_ =	task [dreg:s6], $0x5FFFF  }
0x24: {  	[dreg:$0x1] =	wrdreg $0xFFFFFFFF  }
0x25: {  	[dreg:$0x0] =	wrdreg $0x60  }
0x26: {  	[dreg:$0x2] =	wrdreg s25  }
0x27: {  	[dreg:$0x3] =	wrdreg $0x9  }
0x28: {  	_ =	task.clear_ibuf [dreg:s6], $0x4FFFF;
	_ =	strace $0x90000046  }
0x29: {  	s29 =	simm.s32 $0x9;
	_ =	strace $0x80000048  }
0x2a: {  	_ =	swait.ge [sflag:s29], $0x1  }
0x2b: {  	[sflag:s29] =	ssyncadd.s32 $0xFFFFFFFF  }
0x2c: {  	_ =	strace $0x90000048  }
0x2d: {  	_ =	sfence  }
0x2e: {  	s30 =	sld [smem:$0x0];
	_ =	sdelay $0x2  }
0x2f: {  	s31 =	sshll.u32 s3, $0xD;
	s3 =	sshrl.u32 s3, $0x2  }
0x30: {  	s2 =	sand.u32 $0x4000, s31;
	s1 =	sadd.s32 s3, s30  }
0x31: {  	s0 =	sor.u32 s2, s0;
	s1 =	sshll.u32 s1, $0x11  }
0x32: {  	s0 =	sor.u32 s1, s0  }
0x33: {  	s0 =	sadd.s32 $0x8F2B, s0  }
0x34: {  	[sflag:s0] =	ssyncadd.remote.s32 $0x1  }
0x35: {  	_ =	sfence.sel $0xFFFF  }
0x36: {  	[dreg:$0x0] =	wrdreg $0xFFFFFFFF;
	(pc) =	sbr.abs _section_cstart, $3  }
0x37: {  	[dreg:$0x1] =	wrdreg $0xFFFFFFFF  }
0x38: {  	_ =	task.clear_ibuf [dreg:s6], $0x2FFFF;
	_ =	strace $0x9FFFFFFF  }
0x39: {  	(tm) =	ssettm $0x7FFFFFFF  }
tec
execute0_lowered:
.L_overlay_start_1:
0x0: {  	(tag) =	ssettag $0x1  }
0x1: {  	s0 =	stileid.u32;
	s1 =	srdreg.scid  }
0x2: {  	s4 =	rddreg [dreg:$0x0];
	s7 =	simm.s32 $0x1;
	s31 =	simm.s32 $0x2  }
0x3: {  	s16 =	simm.s32 $0x0;
	s2 =	sshll.u32 s0, $0x5;
	s1 =	sshll.u32 s1, $0x9  }
0x4: {  	s9 =	simm.s32 $0x2000;
	s14 =	simm.s32 $0x0;
	s1 =	sor.u32 s2, s1  }
0x5: {  	s15 =	simm.s32 $0x0;
	s10 =	simm.s32 $0x0;
	s2 =	sand.u32 $0x380, s1  }
0x6: {  	s13 =	simm.s32 $0x0;
	s3 =	sadd.s32 $0x100000, s4;
	s5 =	ssub.s32 $0x400, s2  }
0x7: {  	s4 =	sadd.s32 $0x900000, s4;
	s1 =	rddreg [dreg:$0x1];
	s6 =	sand.u32 $0x380, s5  }
.Ltmp0:
0x8: {  	_ =	strace $0x80000047;
	p0 =	sne.s32 s6, $0x0;
	(pc) =	sbr.rel .LBB1_1-.Ltmp0, $4  }
0x9: {  	s11 =	smov.u32 s2;
	s8 =	sshrl.u32 s5, $0xA;
	s7 =	simm.s32 @!p0 $0x0  }
0xa: {  	s5 =	sand.u32 $0x3, s0;
	s6 =	simm.s32 $0x1;
	s7 =	sadd.s32 s7, s8  }
0xb: {  	s12 =	smov.u32 s5;
	[sflag:s6] =	ssyncpa.u1 $0x0;
	s7 =	sshll.u32 s7, $0x7  }
0xc: {  	p0 =	por $0x0, $0x0;
	[sflag:s31] =	ssyncpa.u1 $0x0;
	s8 =	sor.u32 $0x1, s7  }
.LBB1_4:
0xd: {  	v5 =	vld [tilespmem:s20+$0xFFFFFFD0];
	[tilespmem:s19+$0x2040 ss:$0x81] =	vst.msk $0xffff, v1  }
0xe: {  	v58 =	vld [tilespmem:s20+$0xFFFFFFE0];
	[tilespmem:s19+$0x2850 ss:$0x81] =	vst.msk $0xffff, v2  }
0xf: {  	s21 =	sshra.s32 s21, $0x2;
	v59 =	vld [tilespmem:s20+$0xFFFFFFF0];
	[tilespmem:s19+$0x3060 ss:$0x81] =	vst.msk $0xffff, v3  }
0x10: {  	v60 =	vld [tilespmem:s20+$0x0];
	[tilespmem:s19+$0x0 ss:$0x81] =	vst.msk $0xffff, v0;
	s18 =	sadd.s32 s21, s18  }
0x11: {  	v61 =	vld [tilespmem:s20+$0x10];
	[tilespmem:s18+$0x3870 ss:$0x81] =	vst.msk $0xffff, v4  }
0x12: {  	v62 =	vld [tilespmem:s20+$0x20];
	s26 =	sshll.u32 s16, $0xA;
	s27 =	sshll.u32 s14, $0x3;
	[tilespmem:s18+$0x810 ss:$0x81] =	vst.msk $0xffff, v5  }
0x13: {  	v63 =	vld [tilespmem:s20+$0xFFFFFFC0];
	s29 =	sshll.u32 s16, $0x7;
	s30 =	sand.u32 $0x78, s14;
	s15 =	sshll.u32 s15, $0x15;
	[tilespmem:s18+$0x1020 ss:$0x81] =	vst.msk $0xffff, v58  }
0x14: {  	s19 =	sand.u32 $0xFFE000, s26;
	s28 =	sand.u32 $0xFFFC00, s27;
	s16 =	sand.u32 $0x380, s29;
	[tilespmem:s18+$0x1830 ss:$0x81] =	vst.msk $0xffff, v59  }
0x15: {  	s31 =	sand.u32 $0x7, s14;
	s19 =	sadd.s32 s28, s19;
	s16 =	sor.u32 s30, s16;
	[tilespmem:s18+$0x2040 ss:$0x81] =	vst.msk $0xffff, v60  }
0x16: {  	s15 =	sadd.s32 s4, s15;
	s19 =	sshrl.u32 s19, $0x3;
	s16 =	sshrl.u32 s16, $0x3;
	[tilespmem:s18+$0x2850 ss:$0x81] =	vst.msk $0xffff, v61  }
0x17: {  	s14 =	sshll.u32 s31, $0x12;
	s19 =	sand.u32 $0x1FFF80, s19;
	s15 =	sadd.s32 s16, s15;
	[tilespmem:s18+$0x3060 ss:$0x81] =	vst.msk $0xffff, v62  }
0x18: {  	s14 =	sor.u32 $0x400, s14;
	[tilespmem:s18+$0x0 ss:$0x81] =	vst.msk $0xffff, v63;
	s15 =	sadd.s32 s19, s15  }
0x19: {  	[hbm4b:s15+s14] =	stream.strided.scatter [tilespmem:s17], [sflag:$0x2], $0x4000, s9, s14, $0x20;
	[tilespmem:$0x10100] =	vst v63  }
.LBB1_5:
0x1a: {  	s17 =	sadd.s32 $0x80, s10  }
0x1b: {  	s14 =	sadd.s32 $0x400, s11;
	s18 =	smov.u32 s11;
	p2 =	sgt.s32 s17, $0x3FFF  }
0x1c: {  	s18 =	smov.u32 @p2 s14  }
0x1d: {  	s20 =	smov.u32 s12;
	s14 =	sadd.s32 $0x4, s12;
	p3 =	sgt.s32 s18, $0x3FF  }
0x1e: {  	s20 =	smov.u32 @p3 s14  }
0x1f: {  	s17 =	simm.s32 @p2 $0x0;
	p2 =	sgt.s32 s20, $0x3  }
0x20: {  	p1 =	slt.u32 s13, $0x2;
	s20 =	smov.u32 @p2 s5;
	p2 =	sne.s32 s13, s8  }
.Ltmp1:
0x21: {  	s19 =	simm.s32 @!p1 $0x2;
	(pc) =	sbr.rel @!p2 .LBB1_6-.Ltmp1, $4  }
0x22: {  	s16 =	smov.u32 s10;
	s15 =	smov.u32 s12;
	_ =	swait.ge @!p1 [sflag:s19], $0x4000  }
0x23: {  	p0 =	por !p0, !p0;
	[sflag:s19] =	ssyncset.done @!p1 $0x0;
	s10 =	smov.u32 s17  }
0x24: {  	s18 =	smov.u32 @p3 s2;
	s14 =	smov.u32 s11;
	[sflag:s19] =	ssyncadd.s32 @!p1 $0xFFFFC000  }
0x25: {  	s11 =	smov.u32 s18;
	s13 =	sadd.s32 $0x1, s13;
	s12 =	smov.u32 s20  }
.LBB1_1:
0x26: {  	p1 =	sge.u32 s13, s7;
	s31 =	sadd.s32 $0xFFFFFFFF, s13  }
0x27: {  	s17 =	sxor.u32 @!p1 $0xFFFFFFFF, s13;
	s18 =	sand.u32 @!p1 $0x78, s10;
	s19 =	sshll.u32 @!p1 s11, $0xE  }
0x28: {  	s20 =	sshll.u32 @!p1 s11, $0x7;
	s21 =	sshll.u32 @!p1 s10, $0x3;
	s17 =	sshll.u32 @!p1 s17, $0xE  }
0x29: {  	s19 =	sand.u32 @!p1 $0xFE0000, s19;
	s20 =	sand.u32 @!p1 $0x380, s20;
	s17 =	sand.u32 @!p1 $0x4000, s17  }
0x2a: {  	s19 =	sadd.s32 @!p1 s19, s21;
	s21 =	sand.u32 @!p1 $0x3C00, s21;
	s18 =	sor.u32 @!p1 s20, s18  }
0x2b: {  	s20 =	sshll.u32 @!p1 s12, $0x15;
	s18 =	sor.u32 @!p1 s21, s18;
	s19 =	sshrl.u32 @!p1 s19, $0x3  }
0x2c: {  	s20 =	sadd.s32 @!p1 s3, s20;
	s21 =	sand.u32 @!p1 $0x7, s10;
	s19 =	sand.u32 @!p1 $0x1FF800, s19  }
0x2d: {  	s18 =	sshrl.u32 @!p1 s18, $0x3;
	s19 =	sadd.s32 @!p1 s19, s20;
	s20 =	sshll.u32 @!p1 s21, $0x12  }
0x2e: {  	s18 =	sadd.s32 @!p1 s18, s19;
	s19 =	sor.u32 @!p1 $0x400, s20;
	s20 =	simm.s32 @!p1 $0x20000  }
0x2f: {  	[tilespmem:s17], [sflag:$0x1] =	stream.strided.gather @!p1 [hbm4b:s18+s19], $0x4000, s20, s19, $0x38;
	[tilespmem:$0x10100] =	vst v63  }
0x30: {  	p1 =	sge.u32 s31, s7  }
.Ltmp2:
0x31: {  	_ = 	snop;
	(pc) =	sbr.rel @p1 .LBB1_5-.Ltmp2, $1  }
0x32: {  	_ =	sdelay $0x3  }
0x33: {  	s17 =	simm.s32 $0x1  }
0x34: {  	_ =	swait.ge [sflag:s6], $0x4000;
	s17 =	simm.s32 @!p0 $0x0  }
0x35: {  	[sflag:s6] =	ssyncset.done $0x0;
	s18 =	sshll.u32 s17, $0xE  }
0x36: {  	[sflag:s6] =	ssyncadd.s32 $0xFFFFC000;
	s20 =	sor.u32 $0x40, s18  }
0x37: {  	s17 =	smul.u32 $0x10200, s17;
	v0 =	vld [tilespmem:s20+$0x30]  }
0x38: {  	v3 =	vld [tilespmem:s20+$0xFFFFFFD0]  }
0x39: {  	s17 =	sshrl.u32 s17, $0x2;
	v4 =	vld [tilespmem:s20+$0xFFFFFFE0]  }
0x3a: {  	v5 =	vld [tilespmem:s20+$0xFFFFFFF0];
	s18 =	sor.u32 $0x8000, s17  }
0x3b: {  	s31 =	sand.u32 $0x1, s13;
	v1 =	vld [tilespmem:s20+$0x0];
	s19 =	sadd.s32 $0x0, s18  }
0x3c: {  	v2 =	vld [tilespmem:s20+$0x10];
	s17 =	smul.u32 $0x10200, s31;
	[tilespmem:s19+$0x3870 ss:$0x81] =	vst.msk $0xffff, v0  }
0x3d: {  	[tilespmem:s19+$0x810 ss:$0x81] =	vst.msk $0xffff, v3;
	v3 =	vld [tilespmem:s20+$0x20]  }
0x3e: {  	s17 =	sshrl.u32 s17, $0x2;
	v0 =	vld [tilespmem:s20+$0xFFFFFFC0];
	[tilespmem:s19+$0x1020 ss:$0x81] =	vst.msk $0xffff, v4;
	s20 =	sadd.s32 $0x80, s20  }
0x3f: {  	s21 =	simm.s32 $0x4;
	s22 =	simm.s32 $0x8;
	s17 =	sor.u32 $0x8000, s17;
	[tilespmem:s19+$0x1830 ss:$0x81] =	vst.msk $0xffff, v5;
	v4 =	vld [tilespmem:s20+$0x30]  }
.LBB1_3:
0x40: {  	p1 =	sne.s32 s22, $0x1FC;
	v5 =	vld [tilespmem:s20+$0xFFFFFFD0];
	[tilespmem:s19+$0x2040 ss:$0x81] =	vst.msk $0xffff, v1  }
0x41: {  	v6 =	vld [tilespmem:s20+$0xFFFFFFE0];
	[tilespmem:s19+$0x2850 ss:$0x81] =	vst.msk $0xffff, v2  }
0x42: {  	s23 =	sshra.s32 s21, $0x2;
	s21 =	smov.u32 s22;
	v7 =	vld [tilespmem:s20+$0xFFFFFFF0];
	[tilespmem:s19+$0x3060 ss:$0x81] =	vst.msk $0xffff, v3  }
.Ltmp3:
0x43: {  	v1 =	vld [tilespmem:s20+$0x0];
	[tilespmem:s19+$0x0 ss:$0x81] =	vst.msk $0xffff, v0;
	s19 =	sadd.s32 s23, s18;
	(pc) =	sbr.rel @p1 .LBB1_3-.Ltmp3, $4  }
0x44: {  	v2 =	vld [tilespmem:s20+$0x10];
	[tilespmem:s19+$0x3870 ss:$0x81] =	vst.msk $0xffff, v4  }
0x45: {  	[tilespmem:s19+$0x810 ss:$0x81] =	vst.msk $0xffff, v5;
	v3 =	vld [tilespmem:s20+$0x20]  }
0x46: {  	v0 =	vld [tilespmem:s20+$0xFFFFFFC0];
	[tilespmem:s19+$0x1020 ss:$0x81] =	vst.msk $0xffff, v6;
	s20 =	sadd.s32 $0x80, s20  }
0x47: {  	s22 =	sadd.s32 $0x4, s22;
	v4 =	vld [tilespmem:s20+$0x30];
	[tilespmem:s19+$0x1830 ss:$0x81] =	vst.msk $0xffff, v7  }
.Ltmp4:
0x48: {  	_ = 	snop;
	(pc) =	sbr.rel .LBB1_4-.Ltmp4, $1  }
0x49: {  	_ =	sdelay $0x3  }
.LBB1_6:
0x4a: {  	_ =	sfence.sel $0x180000  }
0x4b: {  	s2 =	simm.s32 $0x1;
	[bflag:$0x0] =	sbarrier.arrive $0xFFFF  }
0x4c: {  	s31 =	simm.s32 $0x2;
	[sflag:s2] =	ssyncpa.u1 $0x1  }
0x4d: {  	[sflag:s31] =	ssyncpa.u1 $0x1  }
0x4e: {  	p0 =	sne.s32 s0, $0x0;
	_ =	strace $0x90000047  }
0x4f: {  	s0 =	sadd.s32 @!p0 $0x100000, s1;
	[bflag:$0x2] =	sbarrier.arrive $0xFFFF  }
0x50: {  	[sflag:s0] =	ssyncadd.tile.s32 @!p0 $0x1;
	_ =	shalt  }
.Lfunc_end1:
_tile_overlayer_lowered:
.L_overlay_start_2:
0x51: {  	(tag) =	ssettag $0x2  }
0x52: {  	s0 =	rddreg [dreg:$0x0];
	s2 =	stileid.u32  }
0x53: {  	s1 =	rddreg [dreg:$0x1];
	p0 =	sne.s32 s2, $0x0  }
0x54: {  	s3 =	rddreg [dreg:$0x2];
	[bflag:$0x3] =	sbarrier.arrive $0xFFFF;
	s2 =	simm.s32 @!p0 $0x1C01  }
0x55: {  	[timem:s3], [sflag:s2] =	dma.local @!p0 [hbm:s0], s1  }
0x56: {  	s0 =	simm.s32 @!p0 $0x1  }
0x57: {  	_ =	swait.ge @!p0 [sflag:s0], s1  }
0x58: {  	s1 =	ssub.s32 @!p0 $0x0, s1;
	[sflag:s0] =	ssyncset.done @!p0 $0x0  }
0x59: {  	[sflag:s0] =	ssyncadd.s32 @!p0 s1  }
0x5a: {  	[bflag:$0x3] =	sbarrier.arrive $0xFFFF  }
0x5b: {  	_ =	shalt  }

</sc_bundles>
